<compile_context>
chip_gen: v7x
topology: tpu7x:2x2x1
jax: 0.10.2.dev20260603
libtpu: 0.0.44.dev20260713+nightly
codegen_flags: <defaults>
</compile_context>

<pallas_src>
import functools

import jax
import jax.numpy as jnp
from jax import lax
from jax.experimental import pallas as pl
from jax.experimental.pallas import tpu as pltpu
from jax.experimental.pallas import tpu_sc as plsc

FP8_LIMIT = 448.0


def _tc_scale_and_quant(prev2, cur2, scale_in, scale_out, block_rows):
    R, D = prev2.shape
    RQ = cur2.shape[0]
    grid = R // block_rows

    def body(sin_ref, sout_ref, prev_ref, cur_ref, out_ref, qcur_ref):
        s_out = sout_ref[0]
        out_ref[...] = prev_ref[...] * s_out

        @pl.when(pl.program_id(0) == 0)
        def _():
            q = jnp.clip(cur_ref[...] / sin_ref[0], -FP8_LIMIT, FP8_LIMIT)
            qcur_ref[...] = q * s_out

    return pl.pallas_call(
        body,
        grid=(grid,),
        in_specs=[
            pl.BlockSpec(memory_space=pltpu.SMEM),
            pl.BlockSpec(memory_space=pltpu.SMEM),
            pl.BlockSpec((block_rows, D), lambda i: (i, 0)),
            pl.BlockSpec((RQ, D), lambda i: (0, 0)),
        ],
        out_specs=[
            pl.BlockSpec((block_rows, D), lambda i: (i, 0)),
            pl.BlockSpec((RQ, D), lambda i: (0, 0)),
        ],
        out_shape=[
            jax.ShapeDtypeStruct((R, D), prev2.dtype),
            jax.ShapeDtypeStruct((RQ, D), cur2.dtype),
        ],
        compiler_params=pltpu.CompilerParams(
            dimension_semantics=("parallel",),
        ),
    )(scale_in, scale_out, prev2, cur2)


def _make_sc_scatter(RQ, D, QL, KV):
    info = plsc.get_sparse_core_info()
    NC, NS = 1, info.num_subcores
    NW = NC * NS
    rows_w = RQ // NW
    pairs_w = rows_w // QL
    assert rows_w * NW == RQ and pairs_w * QL == rows_w

    mesh = plsc.VectorSubcoreMesh(core_axis_name="c", subcore_axis_name="s", num_cores=1)

    @functools.partial(
        pl.kernel,
        mesh=mesh,
        out_type=(),
        scratch_types=[
            pltpu.VMEM((QL,), jnp.int32),
            pltpu.VMEM((rows_w,), jnp.int32),
            pltpu.VMEM((rows_w, D), jnp.float32),
            pltpu.SemaphoreType.DMA,
            pltpu.SemaphoreType.DMA,
        ],
    )
    def sc_scatter(qcur_hbm, idx_hbm, out_hbm, idx_v, fidx_v, rows_v,
                   sem_rows, sem_idx):
        wid = lax.axis_index("s") * NC + lax.axis_index("c")
        rows_cp = pltpu.async_copy(qcur_hbm.at[pl.ds(wid * rows_w, rows_w)],
                                   rows_v, sem_rows)
        idx_cp = pltpu.async_copy(idx_hbm, idx_v, sem_idx)
        idx_cp.wait()
        iv = idx_v[...]
        base_pair = wid * pairs_w
        for p in range(pairs_w):
            fidx_v[pl.ds(p * QL, QL)] = iv + (base_pair + p) * KV
        rows_cp.wait()
        pltpu.async_copy(rows_v, out_hbm.at[fidx_v], sem_rows).wait()

    return sc_scatter


def kernel(prev, cur, scale_in, scale_out, idx, dim, inp_seq_len):
    B, H, KV, D = prev.shape
    QL = cur.shape[2]
    R = B * H * KV
    RQ = B * H * QL

    prev2 = prev.reshape(R, D)
    cur2 = cur.reshape(RQ, D)

    out2, qcur2 = _tc_scale_and_quant(prev2, cur2, scale_in, scale_out,
                                      block_rows=16384)

    sc_scatter = _make_sc_scatter(RQ, D, QL, KV)
    out_ref = jax.new_ref(out2)
    sc_scatter(qcur2, idx, out_ref)
    return out_ref[...].reshape(B, H, KV, D)

# --- scband reference (transcript-rebuilt; emitter-appended) ---
"""Pipeline reference for scband-patched-kvcache-45406394253934 (READ-ONLY COPY).

The authoritative reference and input builder live on the scoring server;
editing this copy changes nothing except your own understanding.
"""

import jax, jax.numpy as jnp
import numpy as np

FP8_MAX = 448.0  # float8_e4m3fn max representable magnitude


def setup_inputs(seed: int = 0) -> dict:
    key = jax.random.key(seed)
    k1, k2 = jax.random.split(key)
    B, H, KV, QL, D = 8, 16, 2048, 16, 128
    prev = jax.random.normal(k1, (B, H, KV, D), dtype=jnp.float32)
    cur = jax.random.normal(k2, (B, H, QL, D), dtype=jnp.float32)
    # per-tensor quant scales (learned/calibrated params of quant_input_0 / quant_output)
    scale_in = jnp.ones((1,), dtype=jnp.float32) * 8.0
    scale_out = jnp.ones((1,), dtype=jnp.float32) * 0.125
    idx = jnp.arange(QL, dtype=jnp.int32)  # cache write positions along seq dim
    return {
        "prev": prev,
        "cur": cur,
        "scale_in": scale_in,
        "scale_out": scale_out,
        "idx": idx,
        "dim": 2,
        "inp_seq_len": QL,
    }


def reference(prev, cur, scale_in, scale_out, idx, dim, inp_seq_len):
    # PatchedKVCache.update in QUANTIZE mode:
    # 1) quant_input_0(cur): fake-quantize incoming K/V slice to fp8 range (per-tensor scale + clip)
    qinput = jnp.clip(cur / scale_in, -FP8_MAX, FP8_MAX)
    # 2) org_update(prev, qinput, dim=2, idx, inp_seq_len): scatter-overwrite into the cache
    #    (torch: prev.index_copy_(dim, idx, qinput)); dim is fixed to the sequence axis (2)
    updated = prev.at[:, :, idx, :].set(qinput)
    # 3) quant_output(output): dequantize full cache back to compute dtype
    out = updated * scale_out
    return out

if __name__ == "__main__":
    import jax
    _d = setup_inputs()
    print(jax.jit(kernel)(*tuple(_d.values())))

</pallas_src>

<mosaic_0001>
#map = affine_map<(d0, d1) -> (0, 0)>
#map1 = affine_map<(d0, d1) -> (0)>
module attributes {stable_mosaic.version = 14 : i64} {
  func.func @new_body(%arg0: i32, %arg1: i32, %arg2: memref<2048x128xf32, #tpu.memory_space<hbm>>, %arg3: memref<16xi32, #tpu.memory_space<hbm>>, %arg4: memref<262144x128xf32, #tpu.memory_space<hbm>>, %arg5: memref<262144x128xf32, #tpu.memory_space<hbm>>, %arg6: memref<16xi32, #tpu.memory_space<vmem>>, %arg7: memref<128xi32, #tpu.memory_space<vmem>>, %arg8: memref<128x128xf32, #tpu.memory_space<vmem>>, %arg9: memref<!tpu.dma_semaphore, #tpu.memory_space<semaphore_mem>>, %arg10: memref<!tpu.dma_semaphore, #tpu.memory_space<semaphore_mem>>) attributes {dimension_semantics = [#tpu.dimension_semantics<core_parallel>, #tpu.dimension_semantics<subcore_parallel>], iteration_bounds = array<i64: 1, 16>, scalar_prefetch = 0 : i64, scratch_operands = 5 : i64, tpu.core_type = #tpu.core_type<sc_vector_subcore>, window_params = [{transform_indices = #map}, {transform_indices = #map1}, {transform_indices = #map}, {transform_indices = #map}]} {
    %mul3A = arith.constant 1 : i32
    %mul3A_0 = arith.muli %arg1, %mul3A : i32
    %add3A = arith.addi %mul3A_0, %arg0 : i32
    %mul3A_1 = arith.constant 128 : i32
    %mul3A_2 = arith.muli %add3A, %mul3A_1 : i32
    %dma_start3A = arith.constant 0 : i32
    %dma_start3A_3 = tpu.memref_slice %arg2[%mul3A_2, %dma_start3A] : memref<2048x128xf32, #tpu.memory_space<hbm>> -> memref<128x128xf32, #tpu.memory_space<hbm>>
    %dma_start3A_4 = arith.constant 0 : i32
    %dma_start3A_5 = tpu.memref_slice %arg2[%mul3A_2, %dma_start3A_4] : memref<2048x128xf32, #tpu.memory_space<hbm>> -> memref<128x128xf32, #tpu.memory_space<hbm>>
    tpu.enqueue_dma source(%dma_start3A_5 : memref<128x128xf32, #tpu.memory_space<hbm>>) target(%arg8 : memref<128x128xf32, #tpu.memory_space<vmem>>) target_semaphore(%arg9 : memref<!tpu.dma_semaphore, #tpu.memory_space<semaphore_mem>>)
    tpu.enqueue_dma source(%arg3 : memref<16xi32, #tpu.memory_space<hbm>>) target(%arg6 : memref<16xi32, #tpu.memory_space<vmem>>) target_semaphore(%arg10 : memref<!tpu.dma_semaphore, #tpu.memory_space<semaphore_mem>>)
    tpu.wait_dma2 semaphore(%arg10 : memref<!tpu.dma_semaphore, #tpu.memory_space<semaphore_mem>>) src(%arg3 : memref<16xi32, #tpu.memory_space<hbm>>) dst(%arg6 : memref<16xi32, #tpu.memory_space<vmem>>)
    %get3A = arith.constant 0 : index
    %get3A_6 = tpu.vector_load %arg6[%get3A] {strides = array<i32>} : memref<16xi32, #tpu.memory_space<vmem>>, vector<16xi32>,
    %get3A_7 = vector.shape_cast %get3A_6 : vector<16xi32> to vector<16xi32>
    %mul3A_8 = arith.constant 8 : i32
    %mul3A_9 = arith.muli %add3A, %mul3A_8 : i32
    %add3A_10 = arith.constant 0 : i32
    %add3A_11 = arith.addi %mul3A_9, %add3A_10 : i32
    %mul3A_12 = arith.constant 2048 : i32
    %mul3A_13 = arith.muli %add3A_11, %mul3A_12 : i32
    %add3A_14 = vector.broadcast %mul3A_13 : i32 to vector<16xi32>
    %add3A_15 = arith.addi %get3A_7, %add3A_14 : vector<16xi32>
    %swap3A = arith.constant 0 : index
    %swap3A_16 = tpu.vector_load %arg7[%swap3A] {strides = array<i32>} : memref<128xi32, #tpu.memory_space<vmem>>, vector<16xi32>,
    %swap3A_17 = vector.shape_cast %swap3A_16 : vector<16xi32> to vector<16xi32>
    %swap3A_18 = vector.shape_cast %add3A_15 : vector<16xi32> to vector<16xi32>
    tpu.vector_store %arg7[%swap3A], %swap3A_18 {strides = array<i32>} : memref<128xi32, #tpu.memory_space<vmem>>, vector<16xi32>,
    %add3A_19 = arith.constant 1 : i32
    %add3A_20 = arith.addi %mul3A_9, %add3A_19 : i32
    %mul3A_21 = arith.constant 2048 : i32
    %mul3A_22 = arith.muli %add3A_20, %mul3A_21 : i32
    %add3A_23 = vector.broadcast %mul3A_22 : i32 to vector<16xi32>
    %add3A_24 = arith.addi %get3A_7, %add3A_23 : vector<16xi32>
    %swap3A_25 = arith.constant 16 : index
    %swap3A_26 = tpu.vector_load %arg7[%swap3A_25] {strides = array<i32>} : memref<128xi32, #tpu.memory_space<vmem>>, vector<16xi32>,
    %swap3A_27 = vector.shape_cast %swap3A_26 : vector<16xi32> to vector<16xi32>
    %swap3A_28 = vector.shape_cast %add3A_24 : vector<16xi32> to vector<16xi32>
    tpu.vector_store %arg7[%swap3A_25], %swap3A_28 {strides = array<i32>} : memref<128xi32, #tpu.memory_space<vmem>>, vector<16xi32>,
    %add3A_29 = arith.constant 2 : i32
    %add3A_30 = arith.addi %mul3A_9, %add3A_29 : i32
    %mul3A_31 = arith.constant 2048 : i32
    %mul3A_32 = arith.muli %add3A_30, %mul3A_31 : i32
    %add3A_33 = vector.broadcast %mul3A_32 : i32 to vector<16xi32>
    %add3A_34 = arith.addi %get3A_7, %add3A_33 : vector<16xi32>
    %swap3A_35 = arith.constant 32 : index
    %swap3A_36 = tpu.vector_load %arg7[%swap3A_35] {strides = array<i32>} : memref<128xi32, #tpu.memory_space<vmem>>, vector<16xi32>,
    %swap3A_37 = vector.shape_cast %swap3A_36 : vector<16xi32> to vector<16xi32>
    %swap3A_38 = vector.shape_cast %add3A_34 : vector<16xi32> to vector<16xi32>
    tpu.vector_store %arg7[%swap3A_35], %swap3A_38 {strides = array<i32>} : memref<128xi32, #tpu.memory_space<vmem>>, vector<16xi32>,
    %add3A_39 = arith.constant 3 : i32
    %add3A_40 = arith.addi %mul3A_9, %add3A_39 : i32
    %mul3A_41 = arith.constant 2048 : i32
    %mul3A_42 = arith.muli %add3A_40, %mul3A_41 : i32
    %add3A_43 = vector.broadcast %mul3A_42 : i32 to vector<16xi32>
    %add3A_44 = arith.addi %get3A_7, %add3A_43 : vector<16xi32>
    %swap3A_45 = arith.constant 48 : index
    %swap3A_46 = tpu.vector_load %arg7[%swap3A_45] {strides = array<i32>} : memref<128xi32, #tpu.memory_space<vmem>>, vector<16xi32>,
    %swap3A_47 = vector.shape_cast %swap3A_46 : vector<16xi32> to vector<16xi32>
    %swap3A_48 = vector.shape_cast %add3A_44 : vector<16xi32> to vector<16xi32>
    tpu.vector_store %arg7[%swap3A_45], %swap3A_48 {strides = array<i32>} : memref<128xi32, #tpu.memory_space<vmem>>, vector<16xi32>,
    %add3A_49 = arith.constant 4 : i32
    %add3A_50 = arith.addi %mul3A_9, %add3A_49 : i32
    %mul3A_51 = arith.constant 2048 : i32
    %mul3A_52 = arith.muli %add3A_50, %mul3A_51 : i32
    %add3A_53 = vector.broadcast %mul3A_52 : i32 to vector<16xi32>
    %add3A_54 = arith.addi %get3A_7, %add3A_53 : vector<16xi32>
    %swap3A_55 = arith.constant 64 : index
    %swap3A_56 = tpu.vector_load %arg7[%swap3A_55] {strides = array<i32>} : memref<128xi32, #tpu.memory_space<vmem>>, vector<16xi32>,
    %swap3A_57 = vector.shape_cast %swap3A_56 : vector<16xi32> to vector<16xi32>
    %swap3A_58 = vector.shape_cast %add3A_54 : vector<16xi32> to vector<16xi32>
    tpu.vector_store %arg7[%swap3A_55], %swap3A_58 {strides = array<i32>} : memref<128xi32, #tpu.memory_space<vmem>>, vector<16xi32>,
    %add3A_59 = arith.constant 5 : i32
    %add3A_60 = arith.addi %mul3A_9, %add3A_59 : i32
    %mul3A_61 = arith.constant 2048 : i32
    %mul3A_62 = arith.muli %add3A_60, %mul3A_61 : i32
    %add3A_63 = vector.broadcast %mul3A_62 : i32 to vector<16xi32>
    %add3A_64 = arith.addi %get3A_7, %add3A_63 : vector<16xi32>
    %swap3A_65 = arith.constant 80 : index
    %swap3A_66 = tpu.vector_load %arg7[%swap3A_65] {strides = array<i32>} : memref<128xi32, #tpu.memory_space<vmem>>, vector<16xi32>,
    %swap3A_67 = vector.shape_cast %swap3A_66 : vector<16xi32> to vector<16xi32>
    %swap3A_68 = vector.shape_cast %add3A_64 : vector<16xi32> to vector<16xi32>
    tpu.vector_store %arg7[%swap3A_65], %swap3A_68 {strides = array<i32>} : memref<128xi32, #tpu.memory_space<vmem>>, vector<16xi32>,
    %add3A_69 = arith.constant 6 : i32
    %add3A_70 = arith.addi %mul3A_9, %add3A_69 : i32
    %mul3A_71 = arith.constant 2048 : i32
    %mul3A_72 = arith.muli %add3A_70, %mul3A_71 : i32
    %add3A_73 = vector.broadcast %mul3A_72 : i32 to vector<16xi32>
    %add3A_74 = arith.addi %get3A_7, %add3A_73 : vector<16xi32>
    %swap3A_75 = arith.constant 96 : index
    %swap3A_76 = tpu.vector_load %arg7[%swap3A_75] {strides = array<i32>} : memref<128xi32, #tpu.memory_space<vmem>>, vector<16xi32>,
    %swap3A_77 = vector.shape_cast %swap3A_76 : vector<16xi32> to vector<16xi32>
    %swap3A_78 = vector.shape_cast %add3A_74 : vector<16xi32> to vector<16xi32>
    tpu.vector_store %arg7[%swap3A_75], %swap3A_78 {strides = array<i32>} : memref<128xi32, #tpu.memory_space<vmem>>, vector<16xi32>,
    %add3A_79 = arith.constant 7 : i32
    %add3A_80 = arith.addi %mul3A_9, %add3A_79 : i32
    %mul3A_81 = arith.constant 2048 : i32
    %mul3A_82 = arith.muli %add3A_80, %mul3A_81 : i32
    %add3A_83 = vector.broadcast %mul3A_82 : i32 to vector<16xi32>
    %add3A_84 = arith.addi %get3A_7, %add3A_83 : vector<16xi32>
    %swap3A_85 = arith.constant 112 : index
    %swap3A_86 = tpu.vector_load %arg7[%swap3A_85] {strides = array<i32>} : memref<128xi32, #tpu.memory_space<vmem>>, vector<16xi32>,
    %swap3A_87 = vector.shape_cast %swap3A_86 : vector<16xi32> to vector<16xi32>
    %swap3A_88 = vector.shape_cast %add3A_84 : vector<16xi32> to vector<16xi32>
    tpu.vector_store %arg7[%swap3A_85], %swap3A_88 {strides = array<i32>} : memref<128xi32, #tpu.memory_space<vmem>>, vector<16xi32>,
    %dma_wait3A = arith.constant 0 : i32
    %dma_wait3A_89 = tpu.memref_slice %arg2[%mul3A_2, %dma_wait3A] : memref<2048x128xf32, #tpu.memory_space<hbm>> -> memref<128x128xf32, #tpu.memory_space<hbm>>
    %dma_wait3A_90 = arith.constant 0 : i32
    %dma_wait3A_91 = tpu.memref_slice %arg2[%mul3A_2, %dma_wait3A_90] : memref<2048x128xf32, #tpu.memory_space<hbm>> -> memref<128x128xf32, #tpu.memory_space<hbm>>
    tpu.wait_dma2 semaphore(%arg9 : memref<!tpu.dma_semaphore, #tpu.memory_space<semaphore_mem>>) src(%dma_wait3A_91 : memref<128x128xf32, #tpu.memory_space<hbm>>) dst(%arg8 : memref<128x128xf32, #tpu.memory_space<vmem>>)
    %dma_start3A_92 = arith.constant 0 : i32
    %dma_start3A_93 = arith.constant 0 : i32
    %dma_start3A_94 = tpu.memref_slice %arg4[%dma_start3A_92, %dma_start3A_93] : memref<262144x128xf32, #tpu.memory_space<hbm>> -> memref<262144x128xf32, #tpu.memory_space<hbm>>
    tpu.enqueue_indirect_dma source(%arg8 : memref<128x128xf32, #tpu.memory_space<vmem>>) target(%dma_start3A_94 : memref<262144x128xf32, #tpu.memory_space<hbm>>) offsets(%arg7 : memref<128xi32, #tpu.memory_space<vmem>>) semaphore(%arg9 : memref<!tpu.dma_semaphore, #tpu.memory_space<semaphore_mem>>)
    %dma_wait3A_95 = arith.constant 0 : i32
    %dma_wait3A_96 = arith.constant 0 : i32
    %dma_wait3A_97 = tpu.memref_slice %arg4[%dma_wait3A_95, %dma_wait3A_96] : memref<262144x128xf32, #tpu.memory_space<hbm>> -> memref<262144x128xf32, #tpu.memory_space<hbm>>
    tpu.wait_indirect_dma semaphore(%arg9 : memref<!tpu.dma_semaphore, #tpu.memory_space<semaphore_mem>>) src(%arg8 : memref<128x128xf32, #tpu.memory_space<vmem>>) dst(%dma_wait3A_97 : memref<262144x128xf32, #tpu.memory_space<hbm>>)
    return
  }
}

module attributes {stable_mosaic.version = 14 : i64} {
  func.func @body(%arg0: i32, %arg1: memref<1xf32, #tpu.memory_space<smem>>, %arg2: memref<1xf32, #tpu.memory_space<smem>>, %arg3: memref<16384x128xf32, #tpu.memory_space<vmem>>, %arg4: memref<2048x128xf32, #tpu.memory_space<vmem>>, %arg5: memref<16384x128xf32, #tpu.memory_space<vmem>>, %arg6: memref<2048x128xf32, #tpu.memory_space<vmem>>) attributes {dimension_semantics = [#tpu.dimension_semantics<parallel>], iteration_bounds = array<i64: 16>, scalar_prefetch = 0 : i64, scratch_operands = 0 : i64, tpu.core_type = #tpu.core_type<tc>, window_params = [{transform_indices = @transform_0, window_bounds = array<i64: 1>}, {transform_indices = @transform_1, window_bounds = array<i64: 1>}, {transform_indices = @transform_2, window_bounds = array<i64: 16384, 128>}, {pipeline_mode = #tpu.pipeline_mode<synchronous>, transform_indices = @transform_3, window_bounds = array<i64: 2048, 128>}, {transform_indices = @transform_4, window_bounds = array<i64: 16384, 128>}, {pipeline_mode = #tpu.pipeline_mode<synchronous>, transform_indices = @transform_5, window_bounds = array<i64: 2048, 128>}]} {
    %get3A = arith.constant 0 : index
    %get3A_0 = memref.load %arg2[%get3A] : memref<1xf32, #tpu.memory_space<smem>>
    %get3A_1 = arith.constant 0 : index
    %get3A_2 = arith.constant 0 : index
    %get3A_3 = vector.load %arg3[%get3A_1, %get3A_2] : memref<16384x128xf32, #tpu.memory_space<vmem>>, vector<16384x128xf32>
    %mul3A = vector.broadcast %get3A_0 : f32 to vector<16384x128xf32>
    %mul3A_4 = arith.mulf %get3A_3, %mul3A : vector<16384x128xf32>
    %swap3A = arith.constant 0 : index
    %swap3A_5 = arith.constant 0 : index
    %swap3A_6 = vector.load %arg5[%swap3A, %swap3A_5] : memref<16384x128xf32, #tpu.memory_space<vmem>>, vector<16384x128xf32>
    tpu.vector_store %arg5[%swap3A, %swap3A_5], %mul3A_4 {strides = array<i32>} : memref<16384x128xf32, #tpu.memory_space<vmem>>, vector<16384x128xf32>,
    %eq3A = arith.constant 0 : i32
    %eq3A_7 = arith.cmpi eq, %arg0, %eq3A : i32
    %convert_element_type3A = arith.extui %eq3A_7 : i1 to i32
    %cond3A = arith.constant 0 : i32
    %cond3A_8 = arith.cmpi ne, %convert_element_type3A, %cond3A : i32
    scf.if %cond3A_8 {
      %get3A_9 = arith.constant 0 : index
      %get3A_10 = arith.constant 0 : index
      %get3A_11 = vector.load %arg4[%get3A_9, %get3A_10] : memref<2048x128xf32, #tpu.memory_space<vmem>>, vector<2048x128xf32>
      %get3A_12 = arith.constant 0 : index
      %get3A_13 = memref.load %arg1[%get3A_12] : memref<1xf32, #tpu.memory_space<smem>>
      %div3A = vector.broadcast %get3A_13 : f32 to vector<2048x128xf32>
      %div3A_14 = arith.divf %get3A_11, %div3A : vector<2048x128xf32>
      %jit3A = arith.constant -4.480000e+02 : f32
      %jit3A_15 = arith.constant 4.480000e+02 : f32
      %max3A = vector.broadcast %jit3A : f32 to vector<2048x128xf32>
      %max3A_16 = arith.maximumf %max3A, %div3A_14 : vector<2048x128xf32>
      %min3A = vector.broadcast %jit3A_15 : f32 to vector<2048x128xf32>
      %min3A_17 = arith.minimumf %min3A, %max3A_16 : vector<2048x128xf32>
      %mul3A_18 = vector.broadcast %get3A_0 : f32 to vector<2048x128xf32>
      %mul3A_19 = arith.mulf %min3A_17, %mul3A_18 : vector<2048x128xf32>
      %swap3A_20 = arith.constant 0 : index
      %swap3A_21 = arith.constant 0 : index
      %swap3A_22 = vector.load %arg6[%swap3A_20, %swap3A_21] : memref<2048x128xf32, #tpu.memory_space<vmem>>, vector<2048x128xf32>
      tpu.vector_store %arg6[%swap3A_20, %swap3A_21], %mul3A_19 {strides = array<i32>} : memref<2048x128xf32, #tpu.memory_space<vmem>>, vector<2048x128xf32>,
    } else {
    }
    return
  }
  func.func @transform_0(%arg0: i32) -> i32 {
    %c0_i32 = arith.constant 0 : i32
    %c0_i32_0 = arith.constant 0 : i32
    return %c0_i32 : i32
  }
  func.func @transform_1(%arg0: i32) -> i32 {
    %c0_i32 = arith.constant 0 : i32
    %c0_i32_0 = arith.constant 0 : i32
    return %c0_i32 : i32
  }
  func.func @transform_2(%arg0: i32) -> (i32, i32) {
    %c0_i32 = arith.constant 0 : i32
    %c0_i32_0 = arith.constant 0 : i32
    return %arg0, %c0_i32 : i32, i32
  }
  func.func @transform_3(%arg0: i32) -> (i32, i32) {
    %c0_i32 = arith.constant 0 : i32
    %c0_i32_0 = arith.constant 0 : i32
    %c0_i32_1 = arith.constant 0 : i32
    return %c0_i32, %c0_i32_0 : i32, i32
  }
  func.func @transform_4(%arg0: i32) -> (i32, i32) {
    %c0_i32 = arith.constant 0 : i32
    %c0_i32_0 = arith.constant 0 : i32
    return %arg0, %c0_i32 : i32, i32
  }
  func.func @transform_5(%arg0: i32) -> (i32, i32) {
    %c0_i32 = arith.constant 0 : i32
    %c0_i32_0 = arith.constant 0 : i32
    %c0_i32_1 = arith.constant 0 : i32
    return %c0_i32, %c0_i32_0 : i32, i32
  }
}

</mosaic_0001>

<sc_bundles>
// kernel: kernel.4.cloned.1.call-start
scs
__scs_entry_jumppad:
0x0: {  	(pc) =	sbr.rel $0x88, $3  }
0x1: {  	(tag) =	ssettag $0x0;
	lr =	simm.s32 $0x1  }
0x2: {  	[smem:$0x3F9C] =	sst lr;
	_ =	strace $0xD0000000  }
0x3: {  	_ = 	snop  }
0x4: {  	_ = 	snop  }
0x5: {  	_ = 	snop  }
0x6: {  	_ = 	snop  }
0x7: {  	_ = 	snop  }
__scs_overlays_trampoline_lowered:
0x8: {  	[smem:$0x3FAB] =	sst s0  }
0x9: {  	[smem:$0x3FAC] =	sst s1  }
0xa: {  	[smem:$0x3FAD] =	sst s2  }
0xb: {  	[smem:$0x3FAE] =	sst s3  }
0xc: {  	[smem:$0x3FAF] =	sst s4  }
0xd: {  	[smem:$0x3FB0] =	sst s5  }
0xe: {  	[smem:$0x3FB1] =	sst s6  }
0xf: {  	[smem:$0x3FB2] =	sst s7  }
0x10: {  	[smem:$0x3FB3] =	sst s8  }
0x11: {  	[smem:$0x3FB4] =	sst s9;
	s0 =	simm.s32 @!p0 $0x0  }
0x12: {  	s1 =	sld [smem:$0x3F9A];
	s0 =	simm.s32 @p0 $0x1  }
0x13: {  	[smem:$0x3FB5] =	sst s0;
	s0 =	simm.s32 @!p1 $0x0  }
0x14: {  	s2 =	sld [smem:$0x3F99];
	s0 =	simm.s32 @p1 $0x1  }
0x15: {  	[smem:$0x3FB6] =	sst s0;
	s0 =	simm.s32 @!p2 $0x0  }
0x16: {  	s3 =	sld [smem:$0x3FDB];
	s0 =	simm.s32 @p2 $0x1  }
0x17: {  	s4 =	simm.s32 $0x1BF5;
	[smem:$0x3FB8] =	sst s0  }
0x18: {  	s0 =	sld [smem:$0x3F9B];
	_ =	swait.ge [sflag:s4], $0x0  }
0x19: {  	s7 =	sld [smem:$0x3F9C]  }
0x1a: {  	s8 =	sadd.s32 $0xFFFFE003, lr  }
0x1b: {  	s9 =	sadd.s32 $0xFFFFFEF7, lr;
	s5 =	simm.s32 $0xFFFFFFFF;
	p2 =	slt.u32 s8, $0xFFFFF086  }
0x1c: {  	p1 =	slt.u32 s9, $0xF7A;
	s5 =	simm.s32 @!p2 $0x0  }
0x1d: {  	s5 =	simm.s32 @p1 $0x1;
	p0 =	seq.s32 s7, s2  }
0x1e: {  	s7 =	smul.u32 @!p0 $0xF7A, s2;
	p2 =	seq.s32 @!p0 s5, $0x0  }
0x1f: {  	s9 =	smul.u32 $0xF7A, s1;
	s8 =	simm.s32 @!p0 $0x1BF5;
	p2 =	por !p2, p0  }
0x20: {  	[sflag:s8] =	ssyncset.s32 @!p0 $0xFFFFF086;
	s6 =	sadd.s32 @!p0 s3, s7;
	s7 =	simm.s32 @!p0 $0x108  }
0x21: {  	s3 =	sadd.s32 s3, s9;
	s6 =	sadd.s32 @!p0 $0x88, s6;
	s7 =	simm.s32 @p2 $0x1082  }
0x22: {  	[simem:s7], [sflag:s8] =	dma.local @!p0 [hbm:s6], $0xF7A  }
0x23: {  	s9 =	sor.u32 $0xD0000000, s2;
	s6 =	simm.s32 $0x108;
	_ =	swait.ge @!p0 [sflag:s8], $0x0  }
0x24: {  	s3 =	sadd.s32 $0x88, s3;
	s6 =	simm.s32 @!p1 $0x1082;
	[sflag:s4] =	ssyncset.s32 $0xFFFFF086  }
0x25: {  	[simem:s6], [sflag:s4] =	dma.local [hbm:s3], $0xF7A  }
0x26: {  	[smem:$0x3F9C] =	sst s1;
	(tag) =	ssettag s2;
	_ =	strace s9  }
0x27: {  	s1 =	sld [smem:$0x3FAC]  }
0x28: {  	s2 =	sld [smem:$0x3FAD]  }
0x29: {  	s4 =	sld [smem:$0x3FAF]  }
0x2a: {  	p0 =	seq.s32 s5, $0x0;
	s5 =	sld [smem:$0x3FB0]  }
0x2b: {  	s6 =	sld [smem:$0x3FB1]  }
0x2c: {  	s7 =	sld [smem:$0x3FB2]  }
0x2d: {  	s3 =	simm.s32 $0x108;
	s8 =	sld [smem:$0x3FB3]  }
0x2e: {  	s3 =	simm.s32 @!p0 $0x1082;
	s9 =	sld [smem:$0x3FB4]  }
0x2f: {  	lr =	sadd.s32 s0, s3;
	s0 =	sld [smem:$0x3FAB]  }
0x30: {  	s3 =	sld [smem:$0x3FAE]  }
0x31: {  	[smem:$0x3FB7] =	sst s10  }
0x32: {  	s10 =	sld [smem:$0x3FB5];
	_ =	sdelay $0x3  }
0x33: {  	p0 =	seq.s32 s10, $0x1;
	s10 =	sld [smem:$0x3FB7];
	_ =	sdelay $0x3  }
0x34: {  	[smem:$0x3FB7] =	sst s10  }
0x35: {  	s10 =	sld [smem:$0x3FB6];
	_ =	sdelay $0x3  }
0x36: {  	p1 =	seq.s32 s10, $0x1;
	s10 =	sld [smem:$0x3FB7];
	_ =	sdelay $0x3  }
0x37: {  	[smem:$0x3FB7] =	sst s10  }
0x38: {  	s10 =	sld [smem:$0x3FB8]  }
0x39: {  	_ = 	snop;
	(pc) =	sbr.ind lr, $3  }
0x3a: {  	_ = 	snop  }
0x3b: {  	_ = 	snop  }
0x3c: {  	p2 =	seq.s32 s10, $0x1;
	s10 =	sld [smem:$0x3FB7]  }
0x3d: {  	_ =	shalt  }
0x3e: {  	_ =	shalt  }
0x3f: {  	_ =	shalt  }
0x40: {  	_ =	shalt  }
0x41: {  	_ =	shalt  }
0x42: {  	_ =	shalt  }
0x43: {  	_ =	shalt  }
0x44: {  	_ =	shalt  }
0x45: {  	_ =	shalt  }
0x46: {  	_ =	shalt  }
0x47: {  	_ =	shalt  }
0x48: {  	_ =	shalt  }
0x49: {  	_ =	shalt  }
0x4a: {  	_ =	shalt  }
0x4b: {  	_ =	shalt  }
0x4c: {  	_ =	shalt  }
0x4d: {  	_ =	shalt  }
0x4e: {  	_ =	shalt  }
0x4f: {  	_ =	shalt  }
0x50: {  	_ =	shalt  }
0x51: {  	_ =	shalt  }
0x52: {  	_ =	shalt  }
0x53: {  	_ =	shalt  }
0x54: {  	_ =	shalt  }
0x55: {  	_ =	shalt  }
0x56: {  	_ =	shalt  }
0x57: {  	_ =	shalt  }
0x58: {  	_ =	shalt  }
0x59: {  	_ =	shalt  }
0x5a: {  	_ =	shalt  }
0x5b: {  	_ =	shalt  }
0x5c: {  	_ =	shalt  }
0x5d: {  	_ =	shalt  }
0x5e: {  	_ =	shalt  }
0x5f: {  	_ =	shalt  }
0x60: {  	_ =	shalt  }
0x61: {  	_ =	shalt  }
0x62: {  	_ =	shalt  }
0x63: {  	_ =	shalt  }
0x64: {  	_ =	shalt  }
0x65: {  	_ =	shalt  }
0x66: {  	_ =	shalt  }
0x67: {  	_ =	shalt  }
0x68: {  	_ =	shalt  }
0x69: {  	_ =	shalt  }
0x6a: {  	_ =	shalt  }
0x6b: {  	_ =	shalt  }
0x6c: {  	_ =	shalt  }
0x6d: {  	_ =	shalt  }
0x6e: {  	_ =	shalt  }
0x6f: {  	_ =	shalt  }
0x70: {  	_ =	shalt  }
0x71: {  	_ =	shalt  }
0x72: {  	_ =	shalt  }
0x73: {  	_ =	shalt  }
0x74: {  	_ =	shalt  }
0x75: {  	_ =	shalt  }
0x76: {  	_ =	shalt  }
0x77: {  	_ =	shalt  }
0x78: {  	_ =	shalt  }
0x79: {  	_ =	shalt  }
0x7a: {  	_ =	shalt  }
0x7b: {  	_ =	shalt  }
0x7c: {  	_ =	shalt  }
0x7d: {  	_ =	shalt  }
0x7e: {  	_ =	shalt  }
0x7f: {  	_ =	shalt  }
0x80: {  	_ =	shalt  }
0x81: {  	_ =	shalt  }
0x82: {  	_ =	shalt  }
0x83: {  	_ =	shalt  }
0x84: {  	_ =	shalt  }
0x85: {  	_ =	shalt  }
0x86: {  	_ =	shalt  }
0x87: {  	_ =	shalt  }
.Lfunc_end0:
.L_simem_size_0:
called_computation_lowered:
.L_overlay_start_0:
0x88: {  	s0 =	sld [smem:$0x3FD9]  }
0x89: {  	s1 =	sld [smem:$0x3FFE];
	_ =	sdelay $0x3  }
0x8a: {  	s0 =	sadd.s32 s1, s0  }
0x8b: {  	[smem:$0x3FC3] =	sst s0  }
0x8c: {  	_ = 	snop  }
0x8d: {  	s0 =	sld [smem:$0x3FC5]  }
0x8e: {  	s16 =	sld [smem:$0x3FD0];
	(tm) =	ssettm $0x1  }
0x8f: {  	s2 =	sld [smem:$0x3FFB];
	_ =	sdelay $0x3  }
0x90: {  	_ =	strace s2  }
0x91: {  	s2 =	sld [smem:$0x3FFC];
	_ =	sdelay $0x3  }
0x92: {  	_ =	strace s2  }
0x93: {  	s2 =	sld [smem:$0x3FFD];
	_ =	sdelay $0x3  }
0x94: {  	_ =	strace s2  }
0x95: {  	_ =	strace $0x8FFFFFFF  }
0x96: {  	s17 =	sld [smem:$0x3FDB];
	_ =	sdelay $0x1  }
0x97: {  	s3 =	simm.s32 $_scs_section_size  }
0x98: {  	s4 =	simm.s32 $_size__tile_overlayer_lowered;
	s5 =	simm.s32 $_tile_overlayer_lowered  }
0x99: {  	s20 =	simm.s32 $0x1BFF;
	s19 =	sshll.u32 s5, $0x1;
	s2 =	sadd.s32 s3, s17  }
0x9a: {  	s6 =	simm.s32 $0x0;
	s18 =	sshll.u32 s4, $0x1;
	s4 =	sadd.s32 s19, s2  }
0x9b: {  	[timem:s6], [sflag:s20] =	dma.local [hbm:s4], s18  }
0x9c: {  	_ =	swait.ge [sflag:s20], s18  }
0x9d: {  	s3 =	ssub.s32 $0x0, s18;
	[sflag:s20] =	ssyncset.done $0x0  }
0x9e: {  	[sflag:s20] =	ssyncadd.s32 s3;
	_ =	sdelay $0x1  }
0x9f: {  	s21 =	simm.s32 $0x1B8B  }
0xa0: {  	_ =	swait.ge [sflag:s21], $0x1  }
0xa1: {  	[sflag:s21] =	ssyncset.done $0x0  }
0xa2: {  	s23 =	simm.s32 $0x1B8E;
	s22 =	sld [smem:$0x3FFE];
	[sflag:s21] =	ssyncadd.s32 $0xFFFFFFFF  }
0xa3: {  	s24 =	simm.s32 $execute0_lowered;
	[smem:$0x3FD2] =	sst s23  }
0xa4: {  	s4 =	sshll.u32 s24, $0x1;
	_ =	strace $0x80000046;
	[dreg:$0x1] =	wrdreg $0xFFFFFFFF  }
0xa5: {  	s25 =	simm.s32 $_size_execute0_lowered;
	s2 =	sadd.s32 s2, s4;
	[dreg:$0x0] =	wrdreg $0x0  }
0xa6: {  	s4 =	sshll.u32 s25, $0x1;
	[dreg:$0x2] =	wrdreg s2  }
0xa7: {  	[dreg:$0x3] =	wrdreg s4  }
0xa8: {  	[dreg:$0x4] =	wrdreg $0xC0  }
0xa9: {  	_ =	task [dreg:s6], $0x5FFFF  }
0xaa: {  	[dreg:$0x1] =	wrdreg $0xFFFFFFFF  }
0xab: {  	[dreg:$0x0] =	wrdreg $0x60  }
0xac: {  	[dreg:$0x2] =	wrdreg s22  }
0xad: {  	[dreg:$0x3] =	wrdreg s0  }
0xae: {  	[dreg:$0x4] =	wrdreg s16  }
0xaf: {  	[dreg:$0x5] =	wrdreg $0x9  }
0xb0: {  	_ =	task.clear_ibuf [dreg:s6], $0x6FFFF;
	_ =	strace $0x90000046  }
0xb1: {  	s26 =	simm.s32 $0x9;
	_ =	strace $0x80000048  }
0xb2: {  	_ =	swait.ge [sflag:s26], $0x1  }
0xb3: {  	[sflag:s26] =	ssyncadd.s32 $0xFFFFFFFF  }
0xb4: {  	_ =	strace $0x90000048  }
0xb5: {  	_ =	sfence  }
0xb6: {  	s28 =	sld [smem:$0x0];
	_ =	sdelay $0x1  }
0xb7: {  	s29 =	srdreg.scid  }
0xb8: {  	s30 =	sshll.u32 s29, $0xD;
	s31 =	sshrl.u32 s29, $0x2  }
0xb9: {  	s1 =	sand.u32 $0x1, s29;
	s2 =	sand.u32 $0x4000, s30;
	s0 =	sadd.s32 s31, s28  }
0xba: {  	s1 =	sor.u32 s2, s1;
	s0 =	sshll.u32 s0, $0x11  }
0xbb: {  	s0 =	sor.u32 s0, s1  }
0xbc: {  	s0 =	sadd.s32 $0x8F2B, s0  }
0xbd: {  	[sflag:s0] =	ssyncadd.remote.s32 $0x1  }
0xbe: {  	_ =	sfence.sel $0xFFFF  }
0xbf: {  	[dreg:$0x0] =	wrdreg $0xFFFFFFFF;
	(pc) =	sbr.abs _section_cstart, $3  }
0xc0: {  	[dreg:$0x1] =	wrdreg $0xFFFFFFFF  }
0xc1: {  	_ =	task.clear_ibuf [dreg:s6], $0x2FFFF;
	_ =	strace $0x9FFFFFFF  }
0xc2: {  	(tm) =	ssettm $0x7FFFFFFF  }
0xc3: {  	_ =	shalt  }
tec
execute0_lowered:
.L_overlay_start_1:
0x0: {  	(tag) =	ssettag $0x1  }
0x1: {  	s0 =	rddreg [dreg:$0x0]  }
0x2: {  	s1 =	rddreg [dreg:$0x1]  }
0x3: {  	s2 =	rddreg [dreg:$0x2];
	s3 =	stileid.u32  }
0x4: {  	s4 =	rddreg [dreg:$0x3];
	s5 =	simm.s32 $0x0;
	s6 =	sshll.u32 s3, $0xB  }
0x5: {  	[smem:$0x7FF] =	sst s5;
	s0 =	sadd.s32 s6, s0  }
0x6: {  	s20 =	simm.s32 $0x100;
	_ =	strace $0x80000047;
	s0 =	sadd.s32 $0xA00, s0  }
0x7: {  	[tilespmem:s20], [sflag:$0x1] =	stream.linear.gather [hbm4b:s0+s5], $0x4000, $0x38;
	[tilespmem:$0x4100] =	vst v63  }
0x8: {  	s21 =	simm.s32 $0x2  }
0x9: {  	[tilespmem:s5], [sflag:$0x2] =	stream.linear.gather [hbm4b:s1+s5], $0x80, $0x38;
	[tilespmem:$0x4100] =	vst v63  }
0xa: {  	_ =	swait.ge [sflag:s21], $0x80  }
0xb: {  	[sflag:s21] =	ssyncset.done $0x0  }
0xc: {  	[sflag:s21] =	ssyncadd.s32 $0xFFFFFF80  }
0xd: {  	v0 =	vld [tilespmem:$0x0];
	_ =	sdelay $0x3  }
0xe: {  	s22 =	sshll.u32 s3, $0xE  }
0xf: {  	s23 =	sor.u32 $0x800, s22;
	v1 =	vadd.s32 s22, v0  }
0x10: {  	s24 =	sor.u32 $0x1000, s22;
	v58 =	vadd.s32 s23, v0;
	[tilespmem:$0x80] =	vst v1  }
0x11: {  	s25 =	sor.u32 $0x1800, s22;
	v59 =	vadd.s32 s24, v0;
	[tilespmem:$0x90] =	vst v58  }
0x12: {  	s26 =	sor.u32 $0x2000, s22;
	v60 =	vadd.s32 s25, v0;
	[tilespmem:$0xA0] =	vst v59  }
0x13: {  	s28 =	sor.u32 $0x2800, s22;
	v61 =	vadd.s32 s26, v0;
	[tilespmem:$0xB0] =	vst v60  }
0x14: {  	s29 =	sor.u32 $0x3000, s22;
	v62 =	vadd.s32 s28, v0;
	[tilespmem:$0xC0] =	vst v61  }
0x15: {  	s0 =	sor.u32 $0x3800, s22;
	v63 =	vadd.s32 s29, v0;
	[tilespmem:$0xD0] =	vst v62  }
0x16: {  	v0 =	vadd.s32 s0, v0;
	[tilespmem:$0xE0] =	vst v63  }
0x17: {  	s30 =	simm.s32 $0x1;
	[tilespmem:$0xF0] =	vst v0  }
0x18: {  	_ =	swait.ge [sflag:s30], $0x4000  }
0x19: {  	[sflag:s30] =	ssyncset.done $0x0  }
0x1a: {  	s31 =	simm.s32 $0x80;
	[sflag:s30] =	ssyncadd.s32 $0xFFFFC000  }
0x1b: {  	[hbm4b:s2+s31] =	stream.indirect.scatter [tilespmem:s20], [sflag:$0x1], $0x80, s31, s31, $0xb8;
	[tilespmem:$0x4100] =	vst v63  }
0x1c: {  	_ =	swait.ge [sflag:s30], $0x4000  }
0x1d: {  	[sflag:s30] =	ssyncset.done $0x0  }
0x1e: {  	[sflag:s30] =	ssyncadd.s32 $0xFFFFC000  }
0x1f: {  	_ =	sfence.sel $0x180000  }
0x20: {  	[bflag:$0x0] =	sbarrier.arrive $0xFFFF  }
0x21: {  	p0 =	sne.s32 s3, $0x0;
	_ =	strace $0x90000047  }
0x22: {  	s0 =	sadd.s32 @!p0 $0x100000, s4;
	[bflag:$0x2] =	sbarrier.arrive $0xFFFF  }
0x23: {  	[sflag:s0] =	ssyncadd.tile.s32 @!p0 $0x1;
	_ =	shalt  }
.Lfunc_end2:
_tile_overlayer_lowered:
.L_overlay_start_2:
0x24: {  	(tag) =	ssettag $0x2  }
0x25: {  	s0 =	rddreg [dreg:$0x0];
	s2 =	stileid.u32  }
0x26: {  	s1 =	rddreg [dreg:$0x1];
	p0 =	sne.s32 s2, $0x0  }
0x27: {  	s3 =	rddreg [dreg:$0x2];
	[bflag:$0x3] =	sbarrier.arrive $0xFFFF;
	s2 =	simm.s32 @!p0 $0x1C03  }
0x28: {  	[timem:s3], [sflag:s2] =	dma.local @!p0 [hbm:s0], s1  }
0x29: {  	s0 =	simm.s32 @!p0 $0x3  }
0x2a: {  	_ =	swait.ge @!p0 [sflag:s0], s1  }
0x2b: {  	s1 =	ssub.s32 @!p0 $0x0, s1;
	[sflag:s0] =	ssyncset.done @!p0 $0x0  }
0x2c: {  	[sflag:s0] =	ssyncadd.s32 @!p0 s1  }
0x2d: {  	[bflag:$0x3] =	sbarrier.arrive $0xFFFF  }
0x2e: {  	_ =	shalt  }

</sc_bundles>
